<compile_context>
chip_gen: v7x
topology: tpu7x:2x2x1
jax: 0.10.2.dev20260603
libtpu: 0.0.44.dev20260713+nightly
codegen_flags: <defaults>
</compile_context>

<pallas_src>
import jax
import jax.numpy as jnp
from jax import lax
from jax.experimental import pallas as pl
from jax.experimental.pallas import tpu as pltpu
from jax.experimental.pallas import tpu_sc as plsc

N = 10000
E = 320000
D = 128
H = 16
C = 7

NC = 2
NS = 16
NW = NC * NS
RPT = N // NS
EW = E // NW
CHUNK = 128
NCHUNK = EW // CHUNK
TAIL = EW - NCHUNK * CHUNK
NBUF = 8
PREF = 4
ZR = 128

def _mesh():
    return plsc.VectorSubcoreMesh(
        core_axis_name="c", subcore_axis_name="s",
        num_cores=NC, num_subcores=NS)
_sc_params = pltpu.CompilerParams(
    needs_layout_passes=False, use_tc_tiling_on_sc=False)


def _worker_id():
    return lax.axis_index("c") * NS + lax.axis_index("s")


def _deg_body(edge_hbm, out_hbm, dst_v, deg_v):
    wid = _worker_id()
    pltpu.sync_copy(edge_hbm.at[1, pl.ds(wid * EW, EW)], dst_v)
    zero = jnp.zeros((16,), jnp.float32)

    def zbody(i, carry):
        deg_v[pl.ds(i * 16, 16)] = zero
        return carry

    lax.fori_loop(0, N // 16, zbody, 0)
    ones = jnp.full((16,), 1.0, jnp.float32)

    def body(i, carry):
        for u in range(5):
            idx = dst_v[pl.ds(i * 80 + u * 16, 16)]
            plsc.addupdate_scatter(deg_v, [idx], ones)
        return carry

    lax.fori_loop(0, EW // 80, body, 0)
    pltpu.sync_copy(deg_v, out_hbm.at[wid])


@jax.jit
def _deg_kernel(edge_index):
    return pl.kernel(
        _deg_body,
        out_type=jax.ShapeDtypeStruct((NW, N), jnp.float32),
        mesh=_mesh(),
        scratch_types=[
            pltpu.VMEM((EW,), jnp.int32),
            pltpu.VMEM((N,), jnp.float32),
        ],
        compiler_params=_sc_params,
    )(edge_index)


def _zero_acc(zbuf_v, acc_sp, r0):
    zero = jnp.zeros((16,), jnp.float32)

    def zbody(i, carry):
        zbuf_v[i] = zero
        return carry

    lax.fori_loop(0, ZR, zbody, 0)
    for q in range(4):
        pltpu.sync_copy(zbuf_v, acc_sp.at[pl.ds(r0 + q * ZR, ZR)])
    pltpu.sync_copy(zbuf_v.at[pl.ds(0, RPT - 4 * ZR)],
                    acc_sp.at[pl.ds(r0 + 4 * ZR, RPT - 4 * ZR)])


def _edge_loop(src_v, dst_v, rows_v, y_sp, acc_sp, gsem, ssem):
    def gather(j, b):
        pltpu.async_copy(y_sp.at[src_v.at[pl.ds(j * CHUNK, CHUNK)]],
                         rows_v.at[b], gsem.at[b])

    def scatter(j, b):
        pltpu.async_copy(rows_v.at[b],
                         acc_sp.at[dst_v.at[pl.ds(j * CHUNK, CHUNK)]],
                         ssem.at[b], add=True)

    def wait_gather(j, b):
        pltpu.make_async_copy(y_sp.at[src_v.at[pl.ds(j * CHUNK, CHUNK)]],
                              rows_v.at[b], gsem.at[b]).wait()

    def wait_scatter(j, b):
        pltpu.make_async_copy(rows_v.at[b],
                              acc_sp.at[dst_v.at[pl.ds(j * CHUNK, CHUNK)]],
                              ssem.at[b]).wait()

    for jp in range(PREF):
        gather(jp, jp % NBUF)

    def body(j, carry):
        b = lax.rem(j, NBUF)
        wait_gather(j, b)
        scatter(j, b)
        jn = j + PREF
        bn = lax.rem(jn, NBUF)

        @pl.when(jn < NCHUNK)
        def _():
            @pl.when(jn >= NBUF)
            def _():
                wait_scatter(jn - NBUF, bn)
            gather(jn, bn)

        return carry

    lax.fori_loop(0, NCHUNK, body, 0)
    for j in range(NCHUNK - NBUF, NCHUNK):
        wait_scatter(j, j % NBUF)
    t0 = NCHUNK * CHUNK
    pltpu.async_copy(y_sp.at[src_v.at[pl.ds(t0, TAIL)]],
                     rows_v.at[0, pl.ds(0, TAIL)], gsem.at[0])
    pltpu.make_async_copy(y_sp.at[src_v.at[pl.ds(t0, TAIL)]],
                          rows_v.at[0, pl.ds(0, TAIL)], gsem.at[0]).wait()
    pltpu.sync_copy(rows_v.at[0, pl.ds(0, TAIL)],
                    acc_sp.at[dst_v.at[pl.ds(t0, TAIL)]], add=True)


def _msg_body(y_hbm, edge_hbm, out_hbm,
              src_v, dst_v, rows_v, zbuf_v, y_sp, acc_sp, gsem, ssem):
    c = lax.axis_index("c")
    s = lax.axis_index("s")
    wid = c * NS + s
    r0 = s * RPT
    pltpu.sync_copy(y_hbm.at[pl.ds(r0, RPT)], y_sp.at[pl.ds(r0, RPT)])
    _zero_acc(zbuf_v, acc_sp, r0)
    pltpu.sync_copy(edge_hbm.at[0, pl.ds(wid * EW, EW)], src_v)
    pltpu.sync_copy(edge_hbm.at[1, pl.ds(wid * EW, EW)], dst_v)
    plsc.subcore_barrier()
    _edge_loop(src_v, dst_v, rows_v, y_sp, acc_sp, gsem, ssem)
    plsc.subcore_barrier()
    pltpu.sync_copy(acc_sp.at[pl.ds(r0, RPT)], out_hbm.at[c, pl.ds(r0, RPT)])


@jax.jit
def _msg_kernel(y, edge_index):
    return pl.kernel(
        _msg_body,
        out_type=jax.ShapeDtypeStruct((NC, N, H), jnp.float32),
        mesh=_mesh(),
        scratch_types=[
            pltpu.VMEM((EW,), jnp.int32),
            pltpu.VMEM((EW,), jnp.int32),
            pltpu.VMEM((NBUF, CHUNK, H), jnp.float32),
            pltpu.VMEM((ZR, H), jnp.float32),
            pltpu.VMEM_SHARED((N, H), jnp.float32),
            pltpu.VMEM_SHARED((N, H), jnp.float32),
            pltpu.SemaphoreType.DMA((NBUF,)),
            pltpu.SemaphoreType.DMA((NBUF,)),
        ],
        compiler_params=_sc_params,
    )(y, edge_index)


BN = 2048


def _h1_body(x_ref, w1_ref, h1_ref):
    h1_ref[...] = jnp.dot(x_ref[...], w1_ref[...],
                          preferred_element_type=jnp.float32)


@jax.jit
def _h1_kernel(x, W1):
    return pl.pallas_call(
        _h1_body,
        grid=(pl.cdiv(N, BN),),
        in_specs=[
            pl.BlockSpec((BN, D), lambda i: (i, 0)),
            pl.BlockSpec((D, H), lambda i: (0, 0)),
        ],
        out_specs=pl.BlockSpec((BN, H), lambda i: (i, 0)),
        out_shape=jax.ShapeDtypeStruct((N, H), jnp.float32),
    )(x, W1)


def _prep_body(deg_ref, h1_ref, dinv_ref, y1_ref):
    deg = jnp.sum(deg_ref[...], axis=0) + 1.0
    dinv = lax.rsqrt(deg)[:, None]
    dinv_ref[...] = dinv
    y1_ref[...] = dinv * h1_ref[...]


@jax.jit
def _prep_kernel(deg_parts, h1):
    return pl.pallas_call(
        _prep_body,
        grid=(pl.cdiv(N, BN),),
        in_specs=[
            pl.BlockSpec((NW, BN), lambda i: (0, i)),
            pl.BlockSpec((BN, H), lambda i: (i, 0)),
        ],
        out_specs=[
            pl.BlockSpec((BN, 1), lambda i: (i, 0)),
            pl.BlockSpec((BN, H), lambda i: (i, 0)),
        ],
        out_shape=[
            jax.ShapeDtypeStruct((N, 1), jnp.float32),
            jax.ShapeDtypeStruct((N, H), jnp.float32),
        ],
    )(deg_parts, h1)


def _mid_body(acc_ref, y1_ref, dinv_ref, w2_ref, b1_ref, y2_ref):
    a = acc_ref[0] + acc_ref[1] + y1_ref[...]
    dinv = dinv_ref[...]
    out1 = jnp.maximum(dinv * a + b1_ref[...], 0.0)
    h2 = jnp.dot(out1, w2_ref[...], preferred_element_type=jnp.float32)
    y2_ref[...] = dinv * h2


@jax.jit
def _mid_kernel(acc1, y1, dinv, W2p, b1r):
    return pl.pallas_call(
        _mid_body,
        grid=(pl.cdiv(N, BN),),
        in_specs=[
            pl.BlockSpec((NC, BN, H), lambda i: (0, i, 0)),
            pl.BlockSpec((BN, H), lambda i: (i, 0)),
            pl.BlockSpec((BN, 1), lambda i: (i, 0)),
            pl.BlockSpec((H, H), lambda i: (0, 0)),
            pl.BlockSpec((1, H), lambda i: (0, 0)),
        ],
        out_specs=pl.BlockSpec((BN, H), lambda i: (i, 0)),
        out_shape=jax.ShapeDtypeStruct((N, H), jnp.float32),
    )(acc1, y1, dinv, W2p, b1r)


NF = N * H // 128


def _finf_body(acc_ref, y2f_ref, dinvB_ref, b2B_ref, mm_ref, ss_ref,
               mask_ref, out_ref):
    t = dinvB_ref[...] * (acc_ref[0] + acc_ref[1] + y2f_ref[...]) + b2B_ref[...]
    mean = jnp.dot(t, mm_ref[...], preferred_element_type=jnp.float32)
    tc = t - mean
    e = jnp.exp(tc) * mask_ref[...]
    s = jnp.dot(e, ss_ref[...], preferred_element_type=jnp.float32)
    out_ref[...] = tc - jnp.log(s)


@jax.jit
def _finf_kernel(acc2f, y2f, dinvB, b2B, MmB, SB, maskB):
    return pl.pallas_call(
        _finf_body,
        grid=(1,),
        in_specs=[
            pl.BlockSpec((NC, NF, 128), lambda i: (0, 0, 0)),
            pl.BlockSpec((NF, 128), lambda i: (0, 0)),
            pl.BlockSpec((NF, 128), lambda i: (0, 0)),
            pl.BlockSpec((1, 128), lambda i: (0, 0)),
            pl.BlockSpec((128, 128), lambda i: (0, 0)),
            pl.BlockSpec((128, 128), lambda i: (0, 0)),
            pl.BlockSpec((1, 128), lambda i: (0, 0)),
        ],
        out_specs=pl.BlockSpec((NF, 128), lambda i: (0, 0)),
        out_shape=jax.ShapeDtypeStruct((NF, 128), jnp.float32),
    )(acc2f, y2f, dinvB, b2B, MmB, SB, maskB)


def kernel(x, edge_index, W1, b1, W2, b2):
    W2p = jnp.pad(W2, ((0, 0), (0, H - C)))
    b1r = b1.reshape(1, H)
    b2p = jnp.pad(b2, (0, H - C)).reshape(1, H)

    mask7 = (jnp.arange(H) < C).astype(jnp.float32)
    I8 = jnp.eye(8, dtype=jnp.float32)
    MmB = jnp.kron(I8, jnp.tile(mask7[:, None] / C, (1, H)))
    SB = jnp.kron(I8, jnp.tile(mask7[:, None], (1, H)))
    maskB = jnp.tile(mask7, 8)[None, :]
    b2B = jnp.tile(b2p[0], 8)[None, :]

    deg_parts = _deg_kernel(edge_index)
    h1 = _h1_kernel(x, W1)
    dinv, y1 = _prep_kernel(deg_parts, h1)
    acc1 = _msg_kernel(y1, edge_index)
    y2 = _mid_kernel(acc1, y1, dinv, W2p, b1r)
    acc2 = _msg_kernel(y2, edge_index)
    dinvB = jnp.broadcast_to(dinv, (N, H)).reshape(NF, 128)
    out_flat = _finf_kernel(acc2.reshape(NC, NF, 128), y2.reshape(NF, 128),
                            dinvB, b2B, MmB, SB, maskB)
    return out_flat.reshape(N, H)[:, :C]

# --- scband reference (transcript-rebuilt; emitter-appended) ---
"""Pipeline reference for scband-net-88295937671789 (READ-ONLY COPY).

The authoritative reference and input builder live on the scoring server;
editing this copy changes nothing except your own understanding.
"""

import jax, jax.numpy as jnp
import numpy as np

N = 10000
E = 320000
D = 128
H = 16
C = 7


def setup_inputs(seed: int = 0) -> dict:
    key = jax.random.key(seed)
    k1, k2, k3, k4, k5, k6 = jax.random.split(key, 6)
    x = jax.random.normal(k1, (N, D), dtype=jnp.float32)
    edge_index = jax.random.randint(k2, (2, E), 0, N, dtype=jnp.int32)
    # GCNConv linear weights (glorot-ish init) and biases
    W1 = jax.random.normal(k3, (D, H), dtype=jnp.float32) * (1.0 / np.sqrt(D))
    b1 = jnp.zeros((H,), dtype=jnp.float32)
    W2 = jax.random.normal(k4, (H, C), dtype=jnp.float32) * (1.0 / np.sqrt(H))
    b2 = jnp.zeros((C,), dtype=jnp.float32)
    return {"x": x, "edge_index": edge_index, "W1": W1, "b1": b1, "W2": W2, "b2": b2}


def _gcn_layer(x, edge_index, W, b):
    # GCNConv with normalize=True: add self-loops, symmetric normalization
    src = edge_index[0]
    dst = edge_index[1]
    loop = jnp.arange(N, dtype=src.dtype)
    src = jnp.concatenate([src, loop])
    dst = jnp.concatenate([dst, loop])
    ones = jnp.ones(src.shape[0], dtype=x.dtype)
    deg = jax.ops.segment_sum(ones, dst, num_segments=N)
    dinv = jnp.where(deg > 0, jax.lax.rsqrt(jnp.maximum(deg, 1e-12)), 0.0)
    norm = dinv[src] * dinv[dst]
    h = x @ W                      # dense transform
    msg = jnp.take(h, src, axis=0) * norm[:, None]   # gather
    out = jax.ops.segment_sum(msg, dst, num_segments=N)  # scatter-add
    return out + b


def reference(x, edge_index, W1, b1, W2, b2):
    h = jax.nn.relu(_gcn_layer(x, edge_index, W1, b1))
    # dropout is identity in eval mode
    h = _gcn_layer(h, edge_index, W2, b2)
    return jax.nn.log_softmax(h, axis=1)

if __name__ == "__main__":
    import jax
    _d = setup_inputs()
    print(jax.jit(kernel)(*tuple(_d.values())))

</pallas_src>

<mosaic_0001>
#map = affine_map<(d0, d1) -> (0, 0)>
module attributes {stable_mosaic.version = 14 : i64} {
  func.func @_deg_body(%arg0: i32, %arg1: i32, %arg2: memref<2x320000xi32, #tpu.memory_space<hbm>>, %arg3: memref<32x10000xf32, #tpu.memory_space<hbm>>, %arg4: memref<10000xi32, #tpu.memory_space<vmem>>, %arg5: memref<10000xf32, #tpu.memory_space<vmem>>) attributes {dimension_semantics = [#tpu.dimension_semantics<core_parallel>, #tpu.dimension_semantics<subcore_parallel>], iteration_bounds = array<i64: 2, 16>, scalar_prefetch = 0 : i64, scratch_operands = 2 : i64, tpu.core_type = #tpu.core_type<sc_vector_subcore>, window_params = [{transform_indices = #map}, {transform_indices = #map}]} {
    %mul3A = arith.constant 16 : i32
    %mul3A_0 = arith.muli %arg0, %mul3A : i32
    %add3A = arith.addi %mul3A_0, %arg1 : i32
    %mul3A_1 = arith.constant 10000 : i32
    %mul3A_2 = arith.muli %add3A, %mul3A_1 : i32
    %run_scoped3A = arith.constant 1 : i32
    "tpu.region"() ({
      %run_scoped3A_17 = tpu.sem_alloc : memref<!tpu.dma_semaphore, #tpu.memory_space<semaphore_mem>>
      %dma_start3A = tpu.memref_slice %arg2[%run_scoped3A, %mul3A_2] : memref<2x320000xi32, #tpu.memory_space<hbm>> -> memref<1x10000xi32, #tpu.memory_space<hbm>>
      %dma_start3A_18 = tpu.memref_squeeze %dma_start3A : memref<1x10000xi32, #tpu.memory_space<hbm>> -> memref<10000xi32, #tpu.memory_space<hbm>>
      %dma_start3A_19 = tpu.memref_slice %arg2[%run_scoped3A, %mul3A_2] : memref<2x320000xi32, #tpu.memory_space<hbm>> -> memref<1x10000xi32, #tpu.memory_space<hbm>>
      %dma_start3A_20 = tpu.memref_squeeze %dma_start3A_19 : memref<1x10000xi32, #tpu.memory_space<hbm>> -> memref<10000xi32, #tpu.memory_space<hbm>>
      tpu.enqueue_dma source(%dma_start3A_20 : memref<10000xi32, #tpu.memory_space<hbm>>) target(%arg4 : memref<10000xi32, #tpu.memory_space<vmem>>) target_semaphore(%run_scoped3A_17 : memref<!tpu.dma_semaphore, #tpu.memory_space<semaphore_mem>>)
      %dma_wait3A = tpu.memref_slice %arg2[%run_scoped3A, %mul3A_2] : memref<2x320000xi32, #tpu.memory_space<hbm>> -> memref<1x10000xi32, #tpu.memory_space<hbm>>
      %dma_wait3A_21 = tpu.memref_squeeze %dma_wait3A : memref<1x10000xi32, #tpu.memory_space<hbm>> -> memref<10000xi32, #tpu.memory_space<hbm>>
      %dma_wait3A_22 = tpu.memref_slice %arg2[%run_scoped3A, %mul3A_2] : memref<2x320000xi32, #tpu.memory_space<hbm>> -> memref<1x10000xi32, #tpu.memory_space<hbm>>
      %dma_wait3A_23 = tpu.memref_squeeze %dma_wait3A_22 : memref<1x10000xi32, #tpu.memory_space<hbm>> -> memref<10000xi32, #tpu.memory_space<hbm>>
      tpu.wait_dma2 semaphore(%run_scoped3A_17 : memref<!tpu.dma_semaphore, #tpu.memory_space<semaphore_mem>>) src(%dma_wait3A_23 : memref<10000xi32, #tpu.memory_space<hbm>>) dst(%arg4 : memref<10000xi32, #tpu.memory_space<vmem>>)
      tpu.yield
    }) : () -> ()
    %broadcast_in_dim3A = arith.constant 0.000000e+00 : f32
    %broadcast_in_dim3A_3 = vector.broadcast %broadcast_in_dim3A : f32 to vector<16xf32>
    %scan3A = arith.constant 0 : i32
    %scan3A_4 = arith.constant 0 : i32
    %scan3A_5 = arith.constant 625 : i32
    %scan3A_6 = arith.addi %scan3A_4, %scan3A_5 : i32
    %scan3A_7 = arith.constant 1 : i32
    scf.for %scan3A_17 = %scan3A_4 to %scan3A_6 step %scan3A_7  : i32 {
      %mul3A_18 = arith.constant 16 : i32
      %mul3A_19 = arith.muli %scan3A_17, %mul3A_18 : i32
      %swap3A = arith.index_cast %mul3A_19 : i32 to index
      %swap3A_20 = tpu.vector_load %arg5[%swap3A] {strides = array<i32>} : memref<10000xf32, #tpu.memory_space<vmem>>, vector<16xf32>,
      tpu.vector_store %arg5[%swap3A], %broadcast_in_dim3A_3 {strides = array<i32>} : memref<10000xf32, #tpu.memory_space<vmem>>, vector<16xf32>,
    }
    %scan3A_8 = arith.constant 625 : i32
    %broadcast_in_dim3A_9 = arith.constant 1.000000e+00 : f32
    %broadcast_in_dim3A_10 = vector.broadcast %broadcast_in_dim3A_9 : f32 to vector<16xf32>
    %scan3A_11 = arith.constant 0 : i32
    %scan3A_12 = arith.constant 0 : i32
    %scan3A_13 = arith.constant 125 : i32
    %scan3A_14 = arith.addi %scan3A_12, %scan3A_13 : i32
    %scan3A_15 = arith.constant 1 : i32
    scf.for %scan3A_17 = %scan3A_12 to %scan3A_14 step %scan3A_15  : i32 {
      %mul3A_18 = arith.constant 80 : i32
      %mul3A_19 = arith.muli %scan3A_17, %mul3A_18 : i32
      %add3A_20 = arith.constant 0 : i32
      %add3A_21 = arith.addi %mul3A_19, %add3A_20 : i32
      %get3A = arith.index_cast %add3A_21 : i32 to index
      %get3A_22 = tpu.vector_load %arg4[%get3A] {strides = array<i32>} : memref<10000xi32, #tpu.memory_space<vmem>>, vector<16xi32>,
      tpu.vector_store_idx %arg5[%get3A_22], %broadcast_in_dim3A_10 {add = true} : memref<10000xf32, #tpu.memory_space<vmem>>[vector<16xi32>], vector<16xf32>,
      %mul3A_23 = arith.constant 80 : i32
      %mul3A_24 = arith.muli %scan3A_17, %mul3A_23 : i32
      %add3A_25 = arith.constant 16 : i32
      %add3A_26 = arith.addi %mul3A_24, %add3A_25 : i32
      %get3A_27 = arith.index_cast %add3A_26 : i32 to index
      %get3A_28 = tpu.vector_load %arg4[%get3A_27] {strides = array<i32>} : memref<10000xi32, #tpu.memory_space<vmem>>, vector<16xi32>,
      tpu.vector_store_idx %arg5[%get3A_28], %broadcast_in_dim3A_10 {add = true} : memref<10000xf32, #tpu.memory_space<vmem>>[vector<16xi32>], vector<16xf32>,
      %mul3A_29 = arith.constant 80 : i32
      %mul3A_30 = arith.muli %scan3A_17, %mul3A_29 : i32
      %add3A_31 = arith.constant 32 : i32
      %add3A_32 = arith.addi %mul3A_30, %add3A_31 : i32
      %get3A_33 = arith.index_cast %add3A_32 : i32 to index
      %get3A_34 = tpu.vector_load %arg4[%get3A_33] {strides = array<i32>} : memref<10000xi32, #tpu.memory_space<vmem>>, vector<16xi32>,
      tpu.vector_store_idx %arg5[%get3A_34], %broadcast_in_dim3A_10 {add = true} : memref<10000xf32, #tpu.memory_space<vmem>>[vector<16xi32>], vector<16xf32>,
      %mul3A_35 = arith.constant 80 : i32
      %mul3A_36 = arith.muli %scan3A_17, %mul3A_35 : i32
      %add3A_37 = arith.constant 48 : i32
      %add3A_38 = arith.addi %mul3A_36, %add3A_37 : i32
      %get3A_39 = arith.index_cast %add3A_38 : i32 to index
      %get3A_40 = tpu.vector_load %arg4[%get3A_39] {strides = array<i32>} : memref<10000xi32, #tpu.memory_space<vmem>>, vector<16xi32>,
      tpu.vector_store_idx %arg5[%get3A_40], %broadcast_in_dim3A_10 {add = true} : memref<10000xf32, #tpu.memory_space<vmem>>[vector<16xi32>], vector<16xf32>,
      %mul3A_41 = arith.constant 80 : i32
      %mul3A_42 = arith.muli %scan3A_17, %mul3A_41 : i32
      %add3A_43 = arith.constant 64 : i32
      %add3A_44 = arith.addi %mul3A_42, %add3A_43 : i32
      %get3A_45 = arith.index_cast %add3A_44 : i32 to index
      %get3A_46 = tpu.vector_load %arg4[%get3A_45] {strides = array<i32>} : memref<10000xi32, #tpu.memory_space<vmem>>, vector<16xi32>,
      tpu.vector_store_idx %arg5[%get3A_46], %broadcast_in_dim3A_10 {add = true} : memref<10000xf32, #tpu.memory_space<vmem>>[vector<16xi32>], vector<16xf32>,
    }
    %scan3A_16 = arith.constant 125 : i32
    "tpu.region"() ({
      %run_scoped3A_17 = tpu.sem_alloc : memref<!tpu.dma_semaphore, #tpu.memory_space<semaphore_mem>>
      %dma_start3A = arith.constant 0 : i32
      %dma_start3A_18 = tpu.memref_slice %arg3[%add3A, %dma_start3A] : memref<32x10000xf32, #tpu.memory_space<hbm>> -> memref<1x10000xf32, #tpu.memory_space<hbm>>
      %dma_start3A_19 = tpu.memref_squeeze %dma_start3A_18 : memref<1x10000xf32, #tpu.memory_space<hbm>> -> memref<10000xf32, #tpu.memory_space<hbm>>
      %dma_start3A_20 = arith.constant 0 : i32
      %dma_start3A_21 = tpu.memref_slice %arg3[%add3A, %dma_start3A_20] : memref<32x10000xf32, #tpu.memory_space<hbm>> -> memref<1x10000xf32, #tpu.memory_space<hbm>>
      %dma_start3A_22 = tpu.memref_squeeze %dma_start3A_21 : memref<1x10000xf32, #tpu.memory_space<hbm>> -> memref<10000xf32, #tpu.memory_space<hbm>>
      tpu.enqueue_dma source(%arg5 : memref<10000xf32, #tpu.memory_space<vmem>>) target(%dma_start3A_22 : memref<10000xf32, #tpu.memory_space<hbm>>) target_semaphore(%run_scoped3A_17 : memref<!tpu.dma_semaphore, #tpu.memory_space<semaphore_mem>>)
      %dma_wait3A = arith.constant 0 : i32
      %dma_wait3A_23 = tpu.memref_slice %arg3[%add3A, %dma_wait3A] : memref<32x10000xf32, #tpu.memory_space<hbm>> -> memref<1x10000xf32, #tpu.memory_space<hbm>>
      %dma_wait3A_24 = tpu.memref_squeeze %dma_wait3A_23 : memref<1x10000xf32, #tpu.memory_space<hbm>> -> memref<10000xf32, #tpu.memory_space<hbm>>
      %dma_wait3A_25 = arith.constant 0 : i32
      %dma_wait3A_26 = tpu.memref_slice %arg3[%add3A, %dma_wait3A_25] : memref<32x10000xf32, #tpu.memory_space<hbm>> -> memref<1x10000xf32, #tpu.memory_space<hbm>>
      %dma_wait3A_27 = tpu.memref_squeeze %dma_wait3A_26 : memref<1x10000xf32, #tpu.memory_space<hbm>> -> memref<10000xf32, #tpu.memory_space<hbm>>
      tpu.wait_dma2 semaphore(%run_scoped3A_17 : memref<!tpu.dma_semaphore, #tpu.memory_space<semaphore_mem>>) src(%arg5 : memref<10000xf32, #tpu.memory_space<vmem>>) dst(%dma_wait3A_27 : memref<10000xf32, #tpu.memory_space<hbm>>)
      tpu.yield
    }) : () -> ()
    return
  }
}

</mosaic_0001>

<sc_bundles>
// kernel: _deg_kernel.3.cloned.1.call-start
scs
__scs_entry_jumppad:
0x0: {  	(pc) =	sbr.rel $0x88, $3  }
0x1: {  	(tag) =	ssettag $0x0;
	lr =	simm.s32 $0x1  }
0x2: {  	[smem:$0x3FA0] =	sst lr;
	_ =	strace $0xD0000000  }
0x3: {  	_ = 	snop  }
0x4: {  	_ = 	snop  }
0x5: {  	_ = 	snop  }
0x6: {  	_ = 	snop  }
0x7: {  	_ = 	snop  }
__scs_overlays_trampoline_lowered:
0x8: {  	[smem:$0x3FAF] =	sst s0  }
0x9: {  	[smem:$0x3FB0] =	sst s1  }
0xa: {  	[smem:$0x3FB1] =	sst s2  }
0xb: {  	[smem:$0x3FB2] =	sst s3  }
0xc: {  	[smem:$0x3FB3] =	sst s4  }
0xd: {  	[smem:$0x3FB4] =	sst s5  }
0xe: {  	[smem:$0x3FB5] =	sst s6  }
0xf: {  	[smem:$0x3FB6] =	sst s7  }
0x10: {  	[smem:$0x3FB7] =	sst s8  }
0x11: {  	[smem:$0x3FB8] =	sst s9;
	s0 =	simm.s32 @!p0 $0x0  }
0x12: {  	s1 =	sld [smem:$0x3F9E];
	s0 =	simm.s32 @p0 $0x1  }
0x13: {  	[smem:$0x3FB9] =	sst s0;
	s0 =	simm.s32 @!p1 $0x0  }
0x14: {  	s2 =	sld [smem:$0x3F9D];
	s0 =	simm.s32 @p1 $0x1  }
0x15: {  	[smem:$0x3FBA] =	sst s0;
	s0 =	simm.s32 @!p2 $0x0  }
0x16: {  	s3 =	sld [smem:$0x3FDB];
	s0 =	simm.s32 @p2 $0x1  }
0x17: {  	s4 =	simm.s32 $0x1BF5;
	[smem:$0x3FBC] =	sst s0  }
0x18: {  	s0 =	sld [smem:$0x3F9F];
	_ =	swait.ge [sflag:s4], $0x0  }
0x19: {  	s7 =	sld [smem:$0x3FA0]  }
0x1a: {  	s8 =	sadd.s32 $0xFFFFE003, lr  }
0x1b: {  	s9 =	sadd.s32 $0xFFFFFEF7, lr;
	s5 =	simm.s32 $0xFFFFFFFF;
	p2 =	slt.u32 s8, $0xFFFFF086  }
0x1c: {  	p1 =	slt.u32 s9, $0xF7A;
	s5 =	simm.s32 @!p2 $0x0  }
0x1d: {  	s5 =	simm.s32 @p1 $0x1;
	p0 =	seq.s32 s7, s2  }
0x1e: {  	s7 =	smul.u32 @!p0 $0xF7A, s2;
	p2 =	seq.s32 @!p0 s5, $0x0  }
0x1f: {  	s9 =	smul.u32 $0xF7A, s1;
	s8 =	simm.s32 @!p0 $0x1BF5;
	p2 =	por !p2, p0  }
0x20: {  	[sflag:s8] =	ssyncset.s32 @!p0 $0xFFFFF086;
	s6 =	sadd.s32 @!p0 s3, s7;
	s7 =	simm.s32 @!p0 $0x108  }
0x21: {  	s3 =	sadd.s32 s3, s9;
	s6 =	sadd.s32 @!p0 $0x88, s6;
	s7 =	simm.s32 @p2 $0x1082  }
0x22: {  	[simem:s7], [sflag:s8] =	dma.local @!p0 [hbm:s6], $0xF7A  }
0x23: {  	s9 =	sor.u32 $0xD0000000, s2;
	s6 =	simm.s32 $0x108;
	_ =	swait.ge @!p0 [sflag:s8], $0x0  }
0x24: {  	s3 =	sadd.s32 $0x88, s3;
	s6 =	simm.s32 @!p1 $0x1082;
	[sflag:s4] =	ssyncset.s32 $0xFFFFF086  }
0x25: {  	[simem:s6], [sflag:s4] =	dma.local [hbm:s3], $0xF7A  }
0x26: {  	[smem:$0x3FA0] =	sst s1;
	(tag) =	ssettag s2;
	_ =	strace s9  }
0x27: {  	s1 =	sld [smem:$0x3FB0]  }
0x28: {  	s2 =	sld [smem:$0x3FB1]  }
0x29: {  	s4 =	sld [smem:$0x3FB3]  }
0x2a: {  	p0 =	seq.s32 s5, $0x0;
	s5 =	sld [smem:$0x3FB4]  }
0x2b: {  	s6 =	sld [smem:$0x3FB5]  }
0x2c: {  	s7 =	sld [smem:$0x3FB6]  }
0x2d: {  	s3 =	simm.s32 $0x108;
	s8 =	sld [smem:$0x3FB7]  }
0x2e: {  	s3 =	simm.s32 @!p0 $0x1082;
	s9 =	sld [smem:$0x3FB8]  }
0x2f: {  	lr =	sadd.s32 s0, s3;
	s0 =	sld [smem:$0x3FAF]  }
0x30: {  	s3 =	sld [smem:$0x3FB2]  }
0x31: {  	[smem:$0x3FBB] =	sst s10  }
0x32: {  	s10 =	sld [smem:$0x3FB9];
	_ =	sdelay $0x3  }
0x33: {  	p0 =	seq.s32 s10, $0x1;
	s10 =	sld [smem:$0x3FBB];
	_ =	sdelay $0x3  }
0x34: {  	[smem:$0x3FBB] =	sst s10  }
0x35: {  	s10 =	sld [smem:$0x3FBA];
	_ =	sdelay $0x3  }
0x36: {  	p1 =	seq.s32 s10, $0x1;
	s10 =	sld [smem:$0x3FBB];
	_ =	sdelay $0x3  }
0x37: {  	[smem:$0x3FBB] =	sst s10  }
0x38: {  	s10 =	sld [smem:$0x3FBC]  }
0x39: {  	_ = 	snop;
	(pc) =	sbr.ind lr, $3  }
0x3a: {  	_ = 	snop  }
0x3b: {  	_ = 	snop  }
0x3c: {  	p2 =	seq.s32 s10, $0x1;
	s10 =	sld [smem:$0x3FBB]  }
0x3d: {  	_ =	shalt  }
0x3e: {  	_ =	shalt  }
0x3f: {  	_ =	shalt  }
0x40: {  	_ =	shalt  }
0x41: {  	_ =	shalt  }
0x42: {  	_ =	shalt  }
0x43: {  	_ =	shalt  }
0x44: {  	_ =	shalt  }
0x45: {  	_ =	shalt  }
0x46: {  	_ =	shalt  }
0x47: {  	_ =	shalt  }
0x48: {  	_ =	shalt  }
0x49: {  	_ =	shalt  }
0x4a: {  	_ =	shalt  }
0x4b: {  	_ =	shalt  }
0x4c: {  	_ =	shalt  }
0x4d: {  	_ =	shalt  }
0x4e: {  	_ =	shalt  }
0x4f: {  	_ =	shalt  }
0x50: {  	_ =	shalt  }
0x51: {  	_ =	shalt  }
0x52: {  	_ =	shalt  }
0x53: {  	_ =	shalt  }
0x54: {  	_ =	shalt  }
0x55: {  	_ =	shalt  }
0x56: {  	_ =	shalt  }
0x57: {  	_ =	shalt  }
0x58: {  	_ =	shalt  }
0x59: {  	_ =	shalt  }
0x5a: {  	_ =	shalt  }
0x5b: {  	_ =	shalt  }
0x5c: {  	_ =	shalt  }
0x5d: {  	_ =	shalt  }
0x5e: {  	_ =	shalt  }
0x5f: {  	_ =	shalt  }
0x60: {  	_ =	shalt  }
0x61: {  	_ =	shalt  }
0x62: {  	_ =	shalt  }
0x63: {  	_ =	shalt  }
0x64: {  	_ =	shalt  }
0x65: {  	_ =	shalt  }
0x66: {  	_ =	shalt  }
0x67: {  	_ =	shalt  }
0x68: {  	_ =	shalt  }
0x69: {  	_ =	shalt  }
0x6a: {  	_ =	shalt  }
0x6b: {  	_ =	shalt  }
0x6c: {  	_ =	shalt  }
0x6d: {  	_ =	shalt  }
0x6e: {  	_ =	shalt  }
0x6f: {  	_ =	shalt  }
0x70: {  	_ =	shalt  }
0x71: {  	_ =	shalt  }
0x72: {  	_ =	shalt  }
0x73: {  	_ =	shalt  }
0x74: {  	_ =	shalt  }
0x75: {  	_ =	shalt  }
0x76: {  	_ =	shalt  }
0x77: {  	_ =	shalt  }
0x78: {  	_ =	shalt  }
0x79: {  	_ =	shalt  }
0x7a: {  	_ =	shalt  }
0x7b: {  	_ =	shalt  }
0x7c: {  	_ =	shalt  }
0x7d: {  	_ =	shalt  }
0x7e: {  	_ =	shalt  }
0x7f: {  	_ =	shalt  }
0x80: {  	_ =	shalt  }
0x81: {  	_ =	shalt  }
0x82: {  	_ =	shalt  }
0x83: {  	_ =	shalt  }
0x84: {  	_ =	shalt  }
0x85: {  	_ =	shalt  }
0x86: {  	_ =	shalt  }
0x87: {  	_ =	shalt  }
.Lfunc_end0:
.L_simem_size_0:
called_computation_lowered:
.L_overlay_start_0:
0x88: {  	s2 =	sld [smem:$0x3FD9]  }
0x89: {  	s3 =	sld [smem:$0x3FFE];
	_ =	sdelay $0x1  }
0x8a: {  	s1 =	srdreg.scid  }
0x8b: {  	s0 =	sand.u32 $0x1, s1  }
0x8c: {  	s16 =	sshll.u32 s0, $0xA;
	s2 =	sadd.s32 s3, s2  }
0x8d: {  	s2 =	sadd.s32 s2, s16  }
0x8e: {  	[smem:$0x3FC7] =	sst s2  }
0x8f: {  	_ = 	snop  }
0x90: {  	(tm) =	ssettm $0x1  }
0x91: {  	s17 =	sld [smem:$0x3FFB];
	_ =	sdelay $0x3  }
0x92: {  	_ =	strace s17  }
0x93: {  	s2 =	sld [smem:$0x3FFC];
	_ =	sdelay $0x3  }
0x94: {  	_ =	strace s2  }
0x95: {  	s2 =	sld [smem:$0x3FFD];
	_ =	sdelay $0x3  }
0x96: {  	_ =	strace s2  }
0x97: {  	_ =	strace $0x8FFFFFFF  }
0x98: {  	s18 =	sld [smem:$0x3FDB];
	_ =	sdelay $0x1  }
0x99: {  	s19 =	simm.s32 $_scs_section_size  }
0x9a: {  	s4 =	simm.s32 $_size__tile_overlayer_lowered;
	s5 =	simm.s32 $_tile_overlayer_lowered  }
0x9b: {  	s22 =	simm.s32 $0x1BFF;
	s21 =	sshll.u32 s5, $0x1;
	s2 =	sadd.s32 s19, s18  }
0x9c: {  	s6 =	simm.s32 $0x0;
	s20 =	sshll.u32 s4, $0x1;
	s4 =	sadd.s32 s21, s2  }
0x9d: {  	[timem:s6], [sflag:s22] =	dma.local [hbm:s4], s20  }
0x9e: {  	_ =	swait.ge [sflag:s22], s20  }
0x9f: {  	s3 =	ssub.s32 $0x0, s20;
	[sflag:s22] =	ssyncset.done $0x0  }
0xa0: {  	[sflag:s22] =	ssyncadd.s32 s3;
	_ =	sdelay $0x1  }
0xa1: {  	s23 =	simm.s32 $0x1B8B  }
0xa2: {  	_ =	swait.ge [sflag:s23], $0x1  }
0xa3: {  	[sflag:s23] =	ssyncset.done $0x0  }
0xa4: {  	s25 =	simm.s32 $0x1B8E;
	s24 =	sld [smem:$0x3FFE];
	[sflag:s23] =	ssyncadd.s32 $0xFFFFFFFF  }
0xa5: {  	s26 =	simm.s32 $execute0_lowered;
	[smem:$0x3FD2] =	sst s25  }
0xa6: {  	s4 =	sshll.u32 s26, $0x1;
	_ =	strace $0x80000046;
	[dreg:$0x1] =	wrdreg $0xFFFFFFFF  }
0xa7: {  	s28 =	simm.s32 $_size_execute0_lowered;
	s2 =	sadd.s32 s2, s4;
	[dreg:$0x0] =	wrdreg $0x0  }
0xa8: {  	s4 =	sshll.u32 s28, $0x1;
	[dreg:$0x2] =	wrdreg s2  }
0xa9: {  	[dreg:$0x3] =	wrdreg s4  }
0xaa: {  	[dreg:$0x4] =	wrdreg $0xC0  }
0xab: {  	_ =	task [dreg:s6], $0x5FFFF  }
0xac: {  	[dreg:$0x1] =	wrdreg $0xFFFFFFFF  }
0xad: {  	[dreg:$0x0] =	wrdreg $0x60  }
0xae: {  	[dreg:$0x2] =	wrdreg s24  }
0xaf: {  	[dreg:$0x3] =	wrdreg $0x9  }
0xb0: {  	_ =	task.clear_ibuf [dreg:s6], $0x4FFFF;
	_ =	strace $0x90000046  }
0xb1: {  	s29 =	simm.s32 $0x9;
	_ =	strace $0x80000048  }
0xb2: {  	_ =	swait.ge [sflag:s29], $0x1  }
0xb3: {  	[sflag:s29] =	ssyncadd.s32 $0xFFFFFFFF  }
0xb4: {  	_ =	strace $0x90000048  }
0xb5: {  	_ =	sfence  }
0xb6: {  	s30 =	sld [smem:$0x0];
	_ =	sdelay $0x2  }
0xb7: {  	s31 =	sshll.u32 s1, $0xD;
	s1 =	sshrl.u32 s1, $0x2  }
0xb8: {  	s3 =	sand.u32 $0x4000, s31;
	s1 =	sadd.s32 s1, s30  }
0xb9: {  	s0 =	sor.u32 s3, s0;
	s1 =	sshll.u32 s1, $0x11  }
0xba: {  	s0 =	sor.u32 s1, s0  }
0xbb: {  	s0 =	sadd.s32 $0x8F2B, s0  }
0xbc: {  	[sflag:s0] =	ssyncadd.remote.s32 $0x1  }
0xbd: {  	_ =	sfence.sel $0xFFFF  }
0xbe: {  	[dreg:$0x0] =	wrdreg $0xFFFFFFFF;
	(pc) =	sbr.abs _section_cstart, $3  }
0xbf: {  	[dreg:$0x1] =	wrdreg $0xFFFFFFFF  }
0xc0: {  	_ =	task.clear_ibuf [dreg:s6], $0x2FFFF;
	_ =	strace $0x9FFFFFFF  }
0xc1: {  	(tm) =	ssettm $0x7FFFFFFF  }
tec
execute0_lowered:
.L_overlay_start_1:
0x0: {  	(tag) =	ssettag $0x1  }
0x1: {  	s0 =	srdreg.scid  }
0x2: {  	s3 =	sand.u32 $0x1, s0  }
0x3: {  	s0 =	stileid.u32;
	s1 =	sshll.u32 s3, $0x4  }
0x4: {  	s4 =	rddreg [dreg:$0x0];
	s2 =	simm.s32 $0x0;
	s1 =	sor.u32 s0, s1  }
0x5: {  	s7 =	simm.s32 $0x2710;
	s3 =	ssub.s32 $0x2, s3;
	s5 =	smul.u32 $0x2710, s1  }
0x6: {  	s8 =	simm.s32 $0x0;
	[smem:$0x7FF] =	sst s2;
	s6 =	sshrl.u32 s3, $0x1  }
0x7: {  	s1 =	rddreg [dreg:$0x1];
	_ =	strace $0x80000047;
	s5 =	sshrl.u32 s5, $0x3  }
0x8: {  	s31 =	ssub.s32 s3, s6;
	s6 =	simm.s32 $0x1;
	s4 =	sadd.s32 s5, s4  }
0x9: {  	v0 =	vimm.f32 $0.0e+00;
	v1 =	vimm.f32 $1.000000000e+00;
	s5 =	smax.u32 s31, $0x1;
	s3 =	sadd.s32 $0xA040, s4;
	s4 =	sadd.s32 $0x13E00, s4  }
.LBB2_1:
0xa: {  	[tilespmem:s2], [sflag:$0x1] =	stream.linear.gather [hbm4b:s3+s2], $0x2710, $0x38;
	[tilespmem:$0x4E20] =	vst v63  }
0xb: {  	_ =	swait.ge [sflag:s6], $0x2710  }
0xc: {  	[sflag:s6] =	ssyncset.done $0x0  }
0xd: {  	s9 =	simm.s32 $0x0;
	[sflag:s6] =	ssyncadd.s32 $0xFFFFD8F0  }
.LBB2_2:
0xe: {  	p0 =	sne.s32 s9, $0x9C00  }
.Ltmp0:
0xf: {  	_ = 	snop;
	(pc) =	sbr.rel @p0 .LBB2_2-.Ltmp0, $3  }
0x10: {  	_ =	sdelay $0x1  }
0x11: {  	s10 =	sshra.s32 s9, $0x2  }
0x12: {  	s9 =	sadd.s32 $0x40, s9;
	[tilespmem:s10+$0x2710] =	vst v0  }
0x13: {  	s9 =	simm.s32 $0x0  }
.LBB2_4:
0x14: {  	s10 =	sshra.s32 s9, $0x2  }
0x15: {  	v2 =	vld [tilespmem:s10+$0x0];
	_ =	sdelay $0x7  }
0x16: {  	[tilespmem:v2+s7+$0x0] =	vst.idx.add.f32.msk $0xffff, v1  }
0x17: {  	v2 =	vld [tilespmem:s10+$0x10];
	_ =	sdelay $0x7  }
0x18: {  	[tilespmem:v2+s7+$0x0] =	vst.idx.add.f32.msk $0xffff, v1  }
0x19: {  	v2 =	vld [tilespmem:s10+$0x20];
	_ =	sdelay $0x7  }
0x1a: {  	[tilespmem:v2+s7+$0x0] =	vst.idx.add.f32.msk $0xffff, v1  }
0x1b: {  	v2 =	vld [tilespmem:s10+$0x30];
	_ =	sdelay $0x7  }
0x1c: {  	[tilespmem:v2+s7+$0x0] =	vst.idx.add.f32.msk $0xffff, v1  }
0x1d: {  	v2 =	vld [tilespmem:s10+$0x40];
	_ =	sdelay $0x2  }
0x1e: {  	p0 =	sne.s32 s9, $0x9B00  }
.Ltmp1:
0x1f: {  	_ = 	snop;
	(pc) =	sbr.rel @p0 .LBB2_4-.Ltmp1, $2  }
0x20: {  	_ =	sdelay $0x2  }
0x21: {  	s9 =	sadd.s32 $0x140, s9;
	[tilespmem:v2+s7+$0x0] =	vst.idx.add.f32.msk $0xffff, v1  }
0x22: {  	s8 =	sadd.s32 $0x1, s8  }
0x23: {  	p0 =	sne.s32 s8, s5  }
.Ltmp2:
0x24: {  	_ = 	snop;
	(pc) =	sbr.rel @p0 .LBB2_1-.Ltmp2, $4  }
0x25: {  	[hbm4b:s4+s2] =	stream.linear.scatter [tilespmem:s7], [sflag:$0x1], $0x2710, $0x38;
	[tilespmem:$0x4E20] =	vst v63  }
0x26: {  	_ =	swait.ge [sflag:s6], $0x2710  }
0x27: {  	[sflag:s6] =	ssyncset.done $0x0  }
0x28: {  	[sflag:s6] =	ssyncadd.s32 $0xFFFFD8F0  }
0x29: {  	_ =	sfence.sel $0x180000  }
0x2a: {  	[bflag:$0x0] =	sbarrier.arrive $0xFFFF  }
0x2b: {  	p0 =	sne.s32 s0, $0x0;
	_ =	strace $0x90000047  }
0x2c: {  	s0 =	sadd.s32 @!p0 $0x100000, s1;
	[bflag:$0x2] =	sbarrier.arrive $0xFFFF  }
0x2d: {  	[sflag:s0] =	ssyncadd.tile.s32 @!p0 $0x1;
	_ =	shalt  }
.Lfunc_end2:
_tile_overlayer_lowered:
.L_overlay_start_2:
0x2e: {  	(tag) =	ssettag $0x2  }
0x2f: {  	s0 =	rddreg [dreg:$0x0];
	s2 =	stileid.u32  }
0x30: {  	s1 =	rddreg [dreg:$0x1];
	p0 =	sne.s32 s2, $0x0  }
0x31: {  	s3 =	rddreg [dreg:$0x2];
	[bflag:$0x3] =	sbarrier.arrive $0xFFFF;
	s2 =	simm.s32 @!p0 $0x1C01  }
0x32: {  	[timem:s3], [sflag:s2] =	dma.local @!p0 [hbm:s0], s1  }
0x33: {  	s0 =	simm.s32 @!p0 $0x1  }
0x34: {  	_ =	swait.ge @!p0 [sflag:s0], s1  }
0x35: {  	s1 =	ssub.s32 @!p0 $0x0, s1;
	[sflag:s0] =	ssyncset.done @!p0 $0x0  }
0x36: {  	[sflag:s0] =	ssyncadd.s32 @!p0 s1  }
0x37: {  	[bflag:$0x3] =	sbarrier.arrive $0xFFFF  }
0x38: {  	_ =	shalt  }

</sc_bundles>
